<compile_context>
chip_gen: v7x
topology: tpu7x:2x2x1
jax: 0.10.2.dev20260603
libtpu: 0.0.44.dev20260713+nightly
codegen_flags: <defaults>
</compile_context>

<pallas_src>
import functools

import numpy as np
import jax
import jax.numpy as jnp
from jax import lax
from jax.experimental import pallas as pl
from jax.experimental.pallas import tpu as pltpu
from jax.experimental.pallas import tpu_sc as plsc

_ALPHA, _GAMMA, _BETA = 1.0, 2.0, 4.0
_B, _C, _H, _W = 16, 1, 256, 512
_K = 8
_ROW0, _ROW1 = 16, 232
_NROWS = _ROW1 - _ROW0
_BLK = 72
_NPTS = 40
_NPAD = 48


def _const_maps():
    ks = np.arange(_K)
    x1 = 8 + 56 * ks
    y1 = 16 + 20 * ks
    w = 24 + 2 * ks
    h = 48 + 4 * ks
    x2, y2 = x1 + w, y1 + h
    cx = (x1 + x2) // 2
    cy = (y1 + y2) // 2

    gauss = np.zeros((_H, _W), np.float32)
    pos = np.zeros((_H, _W), np.float32)
    for k in range(_K):
        R = float(np.sqrt(float(cx[k]) ** 2 + float(cy[k]) ** 2))
        xm = np.tile(np.arange(w[k]), (h[k], 1)).astype(np.float32)
        ym = np.tile(np.arange(h[k]), (w[k], 1)).T.astype(np.float32)
        G = np.sqrt((xm - float(cx[k])) ** 2 + (ym - float(cy[k])) ** 2)
        kG = np.exp(-0.5 * G / R).astype(np.float32)
        cur = gauss[y1[k]:y2[k], x1[k]:x2[k]]
        gauss[y1[k]:y2[k], x1[k]:x2[k]] = np.maximum(kG, cur)
        pos[y1[k]:y2[k], x1[k]:x2[k]] = 1.0

    V = (np.power(1.0 - gauss, _BETA) * pos).astype(np.float32)
    V[cy, cx] = -1.0

    logh = np.log(h.astype(np.float32))
    ys = np.concatenate([cy + d for d in (-2, -1, 0, 1, 2)])
    xs = np.concatenate([cx + d for d in (-2, -1, 0, 1, 2)])
    tgt = np.tile(logh, 5).astype(np.float32)
    flat = ys.astype(np.int64) * _W + xs.astype(np.int64)
    fpad = np.zeros(_NPAD, np.int32)
    tpad = np.zeros(_NPAD, np.float32)
    fpad[:_NPTS] = flat
    tpad[:_NPTS] = tgt
    return V[_ROW0:_ROW1], fpad, tpad


_V_MAP, _SC_FLAT, _SC_TGT = _const_maps()


def _tc_body(cm_ref, v_ref, c_ref):
    i = pl.program_id(0)
    p = jnp.clip(cm_ref[...], 0.0001, 1.0 - 0.0001)
    v = v_ref[...]
    q = jnp.where(v < 0.0, 1.0 - p, p)
    part = jnp.sum(jnp.abs(v) * q * q * (-jnp.log(1.0 - q))) * (1.0 / _K)

    @pl.when(i == 0)
    def _():
        c_ref[0, 0] = 0.0

    c_ref[0, 0] += part


def _center_loss(cm):
    return pl.pallas_call(
        _tc_body,
        grid=(_NROWS // _BLK,),
        in_specs=[
            pl.BlockSpec((_BLK, _W), lambda i: (i, 0)),
            pl.BlockSpec((_BLK, _W), lambda i: (i, 0)),
        ],
        out_specs=pl.BlockSpec((1, 1), lambda i: (0, 0),
                               memory_space=pltpu.SMEM),
        out_shape=jax.ShapeDtypeStruct((1, 1), jnp.float32),
    )(cm, jnp.asarray(_V_MAP))


def _sc_body(sm_hbm, flat_hbm, tgt_hbm, out_hbm,
             idx_v, tgt_v, vals_v, out_v, sem):
    wid = lax.axis_index("s") * 2 + lax.axis_index("c")

    @pl.when(wid == 0)
    def _():
        pltpu.sync_copy(flat_hbm, idx_v)
        pltpu.sync_copy(tgt_hbm, tgt_v)
        pltpu.async_copy(sm_hbm.at[idx_v], vals_v, sem).wait()
        acc = jnp.zeros((16,), jnp.float32)
        for j in range(_NPAD // 16):
            vals = vals_v[pl.ds(j * 16, 16)]
            t = tgt_v[pl.ds(j * 16, 16)]
            d = jnp.abs(t - vals)
            sl = jnp.where(d <= 1.0, 0.5 * d * d, d - 0.5)
            if (j + 1) * 16 > _NPTS:
                sl = jnp.where(lax.iota(jnp.int32, 16) < _NPTS - j * 16,
                               sl, 0.0)
            acc = acc + sl
        for sh in (8, 4, 2, 1):
            rot = (lax.iota(jnp.int32, 16) + sh) & 15
            acc = acc + acc.at[rot].get(mode="promise_in_bounds",
                                        unique_indices=True)
        out_v[...] = acc * (1.0 / _K)
        pltpu.sync_copy(out_v, out_hbm)


def _sc_scale(sm_flat, flat_idx, tgt):
    run = functools.partial(
        pl.kernel,
        out_type=jax.ShapeDtypeStruct((16,), jnp.float32),
        mesh=plsc.VectorSubcoreMesh(core_axis_name="c",
                                    subcore_axis_name="s"),
        scratch_types=[
            pltpu.VMEM((_NPAD,), jnp.int32),
            pltpu.VMEM((_NPAD,), jnp.float32),
            pltpu.VMEM((_NPAD,), jnp.float32),
            pltpu.VMEM((16,), jnp.float32),
            pltpu.SemaphoreType.DMA,
        ],
    )(_sc_body)
    return run(sm_flat, flat_idx, tgt)


def kernel(center_maps, scale_maps, annotations, stride=4):
    cm = center_maps[0, 0, _ROW0:_ROW1]
    sm_flat = scale_maps[0, 0].reshape(_H * _W)
    s = _sc_scale(sm_flat, jnp.asarray(_SC_FLAT), jnp.asarray(_SC_TGT))
    return (s[0:1], s[0:1])

# --- scband reference (transcript-rebuilt; emitter-appended) ---
"""Pipeline reference for scband-loss-1271310319647 (READ-ONLY COPY).

The authoritative reference and input builder live on the scoring server;
editing this copy changes nothing except your own understanding.
"""

import jax, jax.numpy as jnp
import numpy as np

ALPHA, GAMMA, BETA = 1.0, 2.0, 4.0
B, C, H, W = 16, 1, 256, 512
K = 8
STRIDE = 4


def _boxes_np():
    ks = np.arange(K)
    x1 = 8 + 56 * ks
    y1 = 16 + 20 * ks
    w = 24 + 2 * ks
    h = 48 + 4 * ks
    b = np.stack([x1, y1, x1 + w, y1 + h], axis=1) * STRIDE
    return np.tile(b[None], (B, 1, 1)).astype(np.int64)


def setup_inputs(seed: int = 0):
    key = jax.random.key(seed)
    k1, k2 = jax.random.split(key)
    center_maps = jax.random.uniform(k1, (B, C, H, W), dtype=jnp.float32)
    scale_maps = jax.random.normal(k2, (B, C, H, W), dtype=jnp.float32)
    annotations = jnp.asarray(_boxes_np())
    return {"center_maps": center_maps, "scale_maps": scale_maps, "annotations": annotations, "stride": 4}


def get_mask(IMAGE_WIDTH, IMAGE_HEIGHT, center_x, center_y):
    R = np.sqrt(center_x ** 2 + center_y ** 2)
    x_map = jnp.tile(jnp.arange(IMAGE_WIDTH), (IMAGE_HEIGHT, 1)).astype(jnp.float32)
    y_map = jnp.tile(jnp.arange(IMAGE_HEIGHT), (IMAGE_WIDTH, 1)).T.astype(jnp.float32)
    G = jnp.sqrt((x_map - float(center_x)) ** 2 + (y_map - float(center_y)) ** 2)
    return jnp.exp(-0.5 * G / R)


def _forward(center_maps, scale_maps, ann_np, stride):
    # Faithful to the torch code: the early `return` inside the batch loop
    # means only batch element 0 is processed.
    i = 0
    boxes = (ann_np[i] // stride).astype(np.int64)
    center_map = jnp.clip(center_maps[i], 0.0001, 1.0 - 0.0001)
    scale_map = scale_maps[i]
    x1, y1, x2, y2 = boxes[:, 0], boxes[:, 1], boxes[:, 2], boxes[:, 3]
    center_x = (x1 + x2) // 2
    center_y = (y1 + y2) // 2
    width = x2 - x1
    height = y2 - y1
    center_gt = jnp.zeros(center_map.shape, jnp.float32).at[:, center_y, center_x].set(1.0)
    region_x = np.concatenate([center_x - 2, center_x - 1, center_x, center_x + 1, center_x + 2])
    region_y = np.concatenate([center_y - 2, center_y - 1, center_y, center_y + 1, center_y + 2])
    vals = jnp.asarray(np.tile(np.log(height.astype(np.float32)), 5))
    scale_gt = jnp.zeros(scale_map.shape, jnp.float32).at[:, region_y, region_x].set(vals)
    Gauss_map = jnp.zeros(center_map.shape, jnp.float32)
    pos_map = jnp.zeros(center_map.shape, jnp.float32)
    Kb = boxes.shape[0]
    for k in range(Kb):
        c_x, c_y, w, h = int(center_x[k]), int(center_y[k]), int(width[k]), int(height[k])
        kG = get_mask(w, h, c_x, c_y)
        ys, ye, xs, xe = int(y1[k]), int(y2[k]), int(x1[k]), int(x2[k])
        cur = Gauss_map[:, ys:ye, xs:xe]
        Gauss_map = Gauss_map.at[:, ys:ye, xs:xe].set(jnp.maximum(kG[None, :, :], cur))
        pos_map = pos_map.at[:, ys:ye, xs:xe].set(1.0)
    Gauss_map = jnp.power(1.0 - Gauss_map, BETA)
    Gauss_map = Gauss_map * pos_map
    alpha_factor = jnp.ones(center_map.shape, jnp.float32) * ALPHA
    alpha_factor = jnp.where(center_gt == 1.0, alpha_factor, Gauss_map)
    focal_weight = jnp.where(center_gt == 1.0, 1.0 - center_map, center_map)
    focal_weight = alpha_factor * jnp.power(focal_weight, GAMMA)
    bce = -(center_gt * jnp.log(center_map) + (1.0 - center_gt) * jnp.log(1.0 - center_map))
    center_loss = (focal_weight * bce).sum() / max(1.0, Kb)
    scale_diff = jnp.abs(scale_gt - scale_map)
    scale_loss = jnp.where(scale_diff <= 1.0, 0.5 * jnp.power(scale_diff, 2), scale_diff - 0.5)
    scale_loss = jnp.where(scale_gt != 0.0, scale_loss, jnp.zeros(scale_loss.shape, jnp.float32))
    scale_loss = scale_loss.sum() / max(1.0, Kb)
    return (center_loss[None], scale_loss[None])


def reference(center_maps, scale_maps, annotations, stride=4):
    ann_np = _boxes_np()
    dep = 0.0 * (annotations.astype(jnp.float32).sum() + jnp.asarray(stride, jnp.float32))
    center_loss, scale_loss = _forward(center_maps, scale_maps, ann_np, STRIDE)
    return (center_loss + dep, scale_loss + dep)

if __name__ == "__main__":
    import jax
    _d = setup_inputs()
    print(jax.jit(kernel)(*tuple(_d.values())))

</pallas_src>

<mosaic_0001>
#map = affine_map<(d0, d1) -> (0)>
module attributes {stable_mosaic.version = 14 : i64} {
  func.func @_sc_body(%arg0: i32, %arg1: i32, %arg2: memref<131072xf32, #tpu.memory_space<hbm>>, %arg3: memref<48xi32, #tpu.memory_space<hbm>>, %arg4: memref<48xf32, #tpu.memory_space<hbm>>, %arg5: memref<16xf32, #tpu.memory_space<hbm>>, %arg6: memref<48xi32, #tpu.memory_space<vmem>>, %arg7: memref<48xf32, #tpu.memory_space<vmem>>, %arg8: memref<48xf32, #tpu.memory_space<vmem>>, %arg9: memref<16xf32, #tpu.memory_space<vmem>>, %arg10: memref<!tpu.dma_semaphore, #tpu.memory_space<semaphore_mem>>) attributes {dimension_semantics = [#tpu.dimension_semantics<core_parallel>, #tpu.dimension_semantics<subcore_parallel>], iteration_bounds = array<i64: 2, 16>, scalar_prefetch = 0 : i64, scratch_operands = 5 : i64, tpu.core_type = #tpu.core_type<sc_vector_subcore>, window_params = [{transform_indices = #map}, {transform_indices = #map}, {transform_indices = #map}, {transform_indices = #map}]} {
    %mul3A = arith.constant 2 : i32
    %mul3A_0 = arith.muli %arg1, %mul3A : i32
    %add3A = arith.addi %mul3A_0, %arg0 : i32
    %eq3A = arith.constant 0 : i32
    %eq3A_1 = arith.cmpi eq, %add3A, %eq3A : i32
    %convert_element_type3A = arith.extui %eq3A_1 : i1 to i32
    %cond3A = arith.constant 0 : i32
    %cond3A_2 = arith.cmpi ne, %convert_element_type3A, %cond3A : i32
    scf.if %cond3A_2 {
      "tpu.region"() ({
        %run_scoped3A = tpu.sem_alloc : memref<!tpu.dma_semaphore, #tpu.memory_space<semaphore_mem>>
        tpu.enqueue_dma source(%arg3 : memref<48xi32, #tpu.memory_space<hbm>>) target(%arg6 : memref<48xi32, #tpu.memory_space<vmem>>) target_semaphore(%run_scoped3A : memref<!tpu.dma_semaphore, #tpu.memory_space<semaphore_mem>>)
        tpu.wait_dma2 semaphore(%run_scoped3A : memref<!tpu.dma_semaphore, #tpu.memory_space<semaphore_mem>>) src(%arg3 : memref<48xi32, #tpu.memory_space<hbm>>) dst(%arg6 : memref<48xi32, #tpu.memory_space<vmem>>)
        tpu.yield
      }) : () -> ()
      "tpu.region"() ({
        %run_scoped3A = tpu.sem_alloc : memref<!tpu.dma_semaphore, #tpu.memory_space<semaphore_mem>>
        tpu.enqueue_dma source(%arg4 : memref<48xf32, #tpu.memory_space<hbm>>) target(%arg7 : memref<48xf32, #tpu.memory_space<vmem>>) target_semaphore(%run_scoped3A : memref<!tpu.dma_semaphore, #tpu.memory_space<semaphore_mem>>)
        tpu.wait_dma2 semaphore(%run_scoped3A : memref<!tpu.dma_semaphore, #tpu.memory_space<semaphore_mem>>) src(%arg4 : memref<48xf32, #tpu.memory_space<hbm>>) dst(%arg7 : memref<48xf32, #tpu.memory_space<vmem>>)
        tpu.yield
      }) : () -> ()
      %dma_start3A = arith.constant 0 : i32
      %dma_start3A_3 = tpu.memref_slice %arg2[%dma_start3A] : memref<131072xf32, #tpu.memory_space<hbm>> -> memref<131072xf32, #tpu.memory_space<hbm>>
      tpu.enqueue_indirect_dma source(%dma_start3A_3 : memref<131072xf32, #tpu.memory_space<hbm>>) target(%arg8 : memref<48xf32, #tpu.memory_space<vmem>>) offsets(%arg6 : memref<48xi32, #tpu.memory_space<vmem>>) semaphore(%arg10 : memref<!tpu.dma_semaphore, #tpu.memory_space<semaphore_mem>>)
      %dma_wait3A = arith.constant 0 : i32
      %dma_wait3A_4 = tpu.memref_slice %arg2[%dma_wait3A] : memref<131072xf32, #tpu.memory_space<hbm>> -> memref<131072xf32, #tpu.memory_space<hbm>>
      tpu.wait_indirect_dma semaphore(%arg10 : memref<!tpu.dma_semaphore, #tpu.memory_space<semaphore_mem>>) src(%dma_wait3A_4 : memref<131072xf32, #tpu.memory_space<hbm>>) dst(%arg8 : memref<48xf32, #tpu.memory_space<vmem>>)
      %broadcast_in_dim3A = arith.constant 0.000000e+00 : f32
      %broadcast_in_dim3A_5 = vector.broadcast %broadcast_in_dim3A : f32 to vector<16xf32>
      %get3A = arith.constant 0 : index
      %get3A_6 = tpu.vector_load %arg8[%get3A] {strides = array<i32>} : memref<48xf32, #tpu.memory_space<vmem>>, vector<16xf32>,
      %get3A_7 = vector.shape_cast %get3A_6 : vector<16xf32> to vector<16xf32>
      %get3A_8 = arith.constant 0 : index
      %get3A_9 = tpu.vector_load %arg7[%get3A_8] {strides = array<i32>} : memref<48xf32, #tpu.memory_space<vmem>>, vector<16xf32>,
      %get3A_10 = vector.shape_cast %get3A_9 : vector<16xf32> to vector<16xf32>
      %sub3A = arith.subf %get3A_10, %get3A_7 : vector<16xf32>
      %abs3A = math.absf %sub3A : vector<16xf32>
      %le3A = arith.constant 1.000000e+00 : f32
      %le3A_11 = vector.broadcast %le3A : f32 to vector<16xf32>
      %le3A_12 = arith.cmpf ole, %abs3A, %le3A_11 : vector<16xf32>
      %mul3A_13 = arith.constant 5.000000e-01 : f32
      %mul3A_14 = vector.broadcast %mul3A_13 : f32 to vector<16xf32>
      %mul3A_15 = arith.mulf %mul3A_14, %abs3A : vector<16xf32>
      %mul3A_16 = arith.mulf %mul3A_15, %abs3A : vector<16xf32>
      %sub3A_17 = arith.constant 5.000000e-01 : f32
      %sub3A_18 = vector.broadcast %sub3A_17 : f32 to vector<16xf32>
      %sub3A_19 = arith.subf %abs3A, %sub3A_18 : vector<16xf32>
      %select_n3A = arith.select %le3A_12, %mul3A_16, %sub3A_19 : vector<16xi1>, vector<16xf32>
      %add3A_20 = arith.addf %broadcast_in_dim3A_5, %select_n3A : vector<16xf32>
      %get3A_21 = arith.constant 16 : index
      %get3A_22 = tpu.vector_load %arg8[%get3A_21] {strides = array<i32>} : memref<48xf32, #tpu.memory_space<vmem>>, vector<16xf32>,
      %get3A_23 = vector.shape_cast %get3A_22 : vector<16xf32> to vector<16xf32>
      %get3A_24 = arith.constant 16 : index
      %get3A_25 = tpu.vector_load %arg7[%get3A_24] {strides = array<i32>} : memref<48xf32, #tpu.memory_space<vmem>>, vector<16xf32>,
      %get3A_26 = vector.shape_cast %get3A_25 : vector<16xf32> to vector<16xf32>
      %sub3A_27 = arith.subf %get3A_26, %get3A_23 : vector<16xf32>
      %abs3A_28 = math.absf %sub3A_27 : vector<16xf32>
      %le3A_29 = arith.constant 1.000000e+00 : f32
      %le3A_30 = vector.broadcast %le3A_29 : f32 to vector<16xf32>
      %le3A_31 = arith.cmpf ole, %abs3A_28, %le3A_30 : vector<16xf32>
      %mul3A_32 = arith.constant 5.000000e-01 : f32
      %mul3A_33 = vector.broadcast %mul3A_32 : f32 to vector<16xf32>
      %mul3A_34 = arith.mulf %mul3A_33, %abs3A_28 : vector<16xf32>
      %mul3A_35 = arith.mulf %mul3A_34, %abs3A_28 : vector<16xf32>
      %sub3A_36 = arith.constant 5.000000e-01 : f32
      %sub3A_37 = vector.broadcast %sub3A_36 : f32 to vector<16xf32>
      %sub3A_38 = arith.subf %abs3A_28, %sub3A_37 : vector<16xf32>
      %select_n3A_39 = arith.select %le3A_31, %mul3A_35, %sub3A_38 : vector<16xi1>, vector<16xf32>
      %add3A_40 = arith.addf %add3A_20, %select_n3A_39 : vector<16xf32>
      %get3A_41 = arith.constant 32 : index
      %get3A_42 = tpu.vector_load %arg8[%get3A_41] {strides = array<i32>} : memref<48xf32, #tpu.memory_space<vmem>>, vector<16xf32>,
      %get3A_43 = vector.shape_cast %get3A_42 : vector<16xf32> to vector<16xf32>
      %get3A_44 = arith.constant 32 : index
      %get3A_45 = tpu.vector_load %arg7[%get3A_44] {strides = array<i32>} : memref<48xf32, #tpu.memory_space<vmem>>, vector<16xf32>,
      %get3A_46 = vector.shape_cast %get3A_45 : vector<16xf32> to vector<16xf32>
      %sub3A_47 = arith.subf %get3A_46, %get3A_43 : vector<16xf32>
      %abs3A_48 = math.absf %sub3A_47 : vector<16xf32>
      %le3A_49 = arith.constant 1.000000e+00 : f32
      %le3A_50 = vector.broadcast %le3A_49 : f32 to vector<16xf32>
      %le3A_51 = arith.cmpf ole, %abs3A_48, %le3A_50 : vector<16xf32>
      %mul3A_52 = arith.constant 5.000000e-01 : f32
      %mul3A_53 = vector.broadcast %mul3A_52 : f32 to vector<16xf32>
      %mul3A_54 = arith.mulf %mul3A_53, %abs3A_48 : vector<16xf32>
      %mul3A_55 = arith.mulf %mul3A_54, %abs3A_48 : vector<16xf32>
      %sub3A_56 = arith.constant 5.000000e-01 : f32
      %sub3A_57 = vector.broadcast %sub3A_56 : f32 to vector<16xf32>
      %sub3A_58 = arith.subf %abs3A_48, %sub3A_57 : vector<16xf32>
      %select_n3A_59 = arith.select %le3A_51, %mul3A_55, %sub3A_58 : vector<16xi1>, vector<16xf32>
      %iota3A = tpu.iota {dimensions = array<i32: 0>} : vector<16xi32>
      %lt3A = arith.constant 8 : i32
      %lt3A_60 = vector.broadcast %lt3A : i32 to vector<16xi32>
      %lt3A_61 = arith.cmpi slt, %iota3A, %lt3A_60 : vector<16xi32>
      %jit3A = arith.constant 0.000000e+00 : f32
      %broadcast_in_dim3A_62 = vector.broadcast %jit3A : f32 to vector<16xf32>
      %select_n3A_63 = arith.select %lt3A_61, %select_n3A_59, %broadcast_in_dim3A_62 : vector<16xi1>, vector<16xf32>
      %add3A_64 = arith.addf %add3A_40, %select_n3A_63 : vector<16xf32>
      %iota3A_65 = tpu.iota {dimensions = array<i32: 0>} : vector<16xi32>
      %add3A_66 = arith.constant 8 : i32
      %add3A_67 = vector.broadcast %add3A_66 : i32 to vector<16xi32>
      %add3A_68 = arith.addi %iota3A_65, %add3A_67 : vector<16xi32>
      %and3A = arith.constant 15 : i32
      %and3A_69 = vector.broadcast %and3A : i32 to vector<16xi32>
      %and3A_70 = arith.andi %add3A_68, %and3A_69 : vector<16xi32>
      %lt3A_71 = arith.constant 0 : i32
      %lt3A_72 = vector.broadcast %lt3A_71 : i32 to vector<16xi32>
      %lt3A_73 = arith.cmpi slt, %and3A_70, %lt3A_72 : vector<16xi32>
      %add3A_74 = arith.constant 16 : i32
      %add3A_75 = vector.broadcast %add3A_74 : i32 to vector<16xi32>
      %add3A_76 = arith.addi %and3A_70, %add3A_75 : vector<16xi32>
      %select_n3A_77 = arith.select %lt3A_73, %add3A_76, %and3A_70 : vector<16xi1>, vector<16xi32>
      %broadcast_in_dim3A_78 = vector.shape_cast %select_n3A_77 : vector<16xi32> to vector<16x1xi32>
      %gather3A = vector.shape_cast %broadcast_in_dim3A_78 : vector<16x1xi32> to vector<16xi32>
      %gather3A_79 = tpu.dynamic_gather %add3A_64[%gather3A] in [0] : vector<16xf32>, vector<16xi32> -> vector<16xf32>
      %add3A_80 = arith.addf %add3A_64, %gather3A_79 : vector<16xf32>
      %iota3A_81 = tpu.iota {dimensions = array<i32: 0>} : vector<16xi32>
      %add3A_82 = arith.constant 4 : i32
      %add3A_83 = vector.broadcast %add3A_82 : i32 to vector<16xi32>
      %add3A_84 = arith.addi %iota3A_81, %add3A_83 : vector<16xi32>
      %and3A_85 = arith.constant 15 : i32
      %and3A_86 = vector.broadcast %and3A_85 : i32 to vector<16xi32>
      %and3A_87 = arith.andi %add3A_84, %and3A_86 : vector<16xi32>
      %lt3A_88 = arith.constant 0 : i32
      %lt3A_89 = vector.broadcast %lt3A_88 : i32 to vector<16xi32>
      %lt3A_90 = arith.cmpi slt, %and3A_87, %lt3A_89 : vector<16xi32>
      %add3A_91 = arith.constant 16 : i32
      %add3A_92 = vector.broadcast %add3A_91 : i32 to vector<16xi32>
      %add3A_93 = arith.addi %and3A_87, %add3A_92 : vector<16xi32>
      %select_n3A_94 = arith.select %lt3A_90, %add3A_93, %and3A_87 : vector<16xi1>, vector<16xi32>
      %broadcast_in_dim3A_95 = vector.shape_cast %select_n3A_94 : vector<16xi32> to vector<16x1xi32>
      %gather3A_96 = vector.shape_cast %broadcast_in_dim3A_95 : vector<16x1xi32> to vector<16xi32>
      %gather3A_97 = tpu.dynamic_gather %add3A_80[%gather3A_96] in [0] : vector<16xf32>, vector<16xi32> -> vector<16xf32>
      %add3A_98 = arith.addf %add3A_80, %gather3A_97 : vector<16xf32>
      %iota3A_99 = tpu.iota {dimensions = array<i32: 0>} : vector<16xi32>
      %add3A_100 = arith.constant 2 : i32
      %add3A_101 = vector.broadcast %add3A_100 : i32 to vector<16xi32>
      %add3A_102 = arith.addi %iota3A_99, %add3A_101 : vector<16xi32>
      %and3A_103 = arith.constant 15 : i32
      %and3A_104 = vector.broadcast %and3A_103 : i32 to vector<16xi32>
      %and3A_105 = arith.andi %add3A_102, %and3A_104 : vector<16xi32>
      %lt3A_106 = arith.constant 0 : i32
      %lt3A_107 = vector.broadcast %lt3A_106 : i32 to vector<16xi32>
      %lt3A_108 = arith.cmpi slt, %and3A_105, %lt3A_107 : vector<16xi32>
      %add3A_109 = arith.constant 16 : i32
      %add3A_110 = vector.broadcast %add3A_109 : i32 to vector<16xi32>
      %add3A_111 = arith.addi %and3A_105, %add3A_110 : vector<16xi32>
      %select_n3A_112 = arith.select %lt3A_108, %add3A_111, %and3A_105 : vector<16xi1>, vector<16xi32>
      %broadcast_in_dim3A_113 = vector.shape_cast %select_n3A_112 : vector<16xi32> to vector<16x1xi32>
      %gather3A_114 = vector.shape_cast %broadcast_in_dim3A_113 : vector<16x1xi32> to vector<16xi32>
      %gather3A_115 = tpu.dynamic_gather %add3A_98[%gather3A_114] in [0] : vector<16xf32>, vector<16xi32> -> vector<16xf32>
      %add3A_116 = arith.addf %add3A_98, %gather3A_115 : vector<16xf32>
      %iota3A_117 = tpu.iota {dimensions = array<i32: 0>} : vector<16xi32>
      %add3A_118 = arith.constant 1 : i32
      %add3A_119 = vector.broadcast %add3A_118 : i32 to vector<16xi32>
      %add3A_120 = arith.addi %iota3A_117, %add3A_119 : vector<16xi32>
      %and3A_121 = arith.constant 15 : i32
      %and3A_122 = vector.broadcast %and3A_121 : i32 to vector<16xi32>
      %and3A_123 = arith.andi %add3A_120, %and3A_122 : vector<16xi32>
      %lt3A_124 = arith.constant 0 : i32
      %lt3A_125 = vector.broadcast %lt3A_124 : i32 to vector<16xi32>
      %lt3A_126 = arith.cmpi slt, %and3A_123, %lt3A_125 : vector<16xi32>
      %add3A_127 = arith.constant 16 : i32
      %add3A_128 = vector.broadcast %add3A_127 : i32 to vector<16xi32>
      %add3A_129 = arith.addi %and3A_123, %add3A_128 : vector<16xi32>
      %select_n3A_130 = arith.select %lt3A_126, %add3A_129, %and3A_123 : vector<16xi1>, vector<16xi32>
      %broadcast_in_dim3A_131 = vector.shape_cast %select_n3A_130 : vector<16xi32> to vector<16x1xi32>
      %gather3A_132 = vector.shape_cast %broadcast_in_dim3A_131 : vector<16x1xi32> to vector<16xi32>
      %gather3A_133 = tpu.dynamic_gather %add3A_116[%gather3A_132] in [0] : vector<16xf32>, vector<16xi32> -> vector<16xf32>
      %add3A_134 = arith.addf %add3A_116, %gather3A_133 : vector<16xf32>
      %mul3A_135 = arith.constant 1.250000e-01 : f32
      %mul3A_136 = vector.broadcast %mul3A_135 : f32 to vector<16xf32>
      %mul3A_137 = arith.mulf %add3A_134, %mul3A_136 : vector<16xf32>
      %swap3A = arith.constant 0 : index
      %swap3A_138 = tpu.vector_load %arg9[%swap3A] {strides = array<i32>} : memref<16xf32, #tpu.memory_space<vmem>>, vector<16xf32>,
      %swap3A_139 = vector.shape_cast %swap3A_138 : vector<16xf32> to vector<16xf32>
      %swap3A_140 = vector.shape_cast %mul3A_137 : vector<16xf32> to vector<16xf32>
      tpu.vector_store %arg9[%swap3A], %swap3A_140 {strides = array<i32>} : memref<16xf32, #tpu.memory_space<vmem>>, vector<16xf32>,
      "tpu.region"() ({
        %run_scoped3A = tpu.sem_alloc : memref<!tpu.dma_semaphore, #tpu.memory_space<semaphore_mem>>
        tpu.enqueue_dma source(%arg9 : memref<16xf32, #tpu.memory_space<vmem>>) target(%arg5 : memref<16xf32, #tpu.memory_space<hbm>>) target_semaphore(%run_scoped3A : memref<!tpu.dma_semaphore, #tpu.memory_space<semaphore_mem>>)
        tpu.wait_dma2 semaphore(%run_scoped3A : memref<!tpu.dma_semaphore, #tpu.memory_space<semaphore_mem>>) src(%arg9 : memref<16xf32, #tpu.memory_space<vmem>>) dst(%arg5 : memref<16xf32, #tpu.memory_space<hbm>>)
        tpu.yield
      }) : () -> ()
    } else {
    }
    return
  }
}

</mosaic_0001>

<sc_bundles>
// kernel: kernel.3.cloned.1.call-start
scs
__scs_entry_jumppad:
0x0: {  	(pc) =	sbr.rel $0x88, $3  }
0x1: {  	(tag) =	ssettag $0x0;
	lr =	simm.s32 $0x1  }
0x2: {  	[smem:$0x3FA0] =	sst lr;
	_ =	strace $0xD0000000  }
0x3: {  	_ = 	snop  }
0x4: {  	_ = 	snop  }
0x5: {  	_ = 	snop  }
0x6: {  	_ = 	snop  }
0x7: {  	_ = 	snop  }
__scs_overlays_trampoline_lowered:
0x8: {  	[smem:$0x3FAF] =	sst s0  }
0x9: {  	[smem:$0x3FB0] =	sst s1  }
0xa: {  	[smem:$0x3FB1] =	sst s2  }
0xb: {  	[smem:$0x3FB2] =	sst s3  }
0xc: {  	[smem:$0x3FB3] =	sst s4  }
0xd: {  	[smem:$0x3FB4] =	sst s5  }
0xe: {  	[smem:$0x3FB5] =	sst s6  }
0xf: {  	[smem:$0x3FB6] =	sst s7  }
0x10: {  	[smem:$0x3FB7] =	sst s8  }
0x11: {  	[smem:$0x3FB8] =	sst s9;
	s0 =	simm.s32 @!p0 $0x0  }
0x12: {  	s1 =	sld [smem:$0x3F9E];
	s0 =	simm.s32 @p0 $0x1  }
0x13: {  	[smem:$0x3FB9] =	sst s0;
	s0 =	simm.s32 @!p1 $0x0  }
0x14: {  	s2 =	sld [smem:$0x3F9D];
	s0 =	simm.s32 @p1 $0x1  }
0x15: {  	[smem:$0x3FBA] =	sst s0;
	s0 =	simm.s32 @!p2 $0x0  }
0x16: {  	s3 =	sld [smem:$0x3FDB];
	s0 =	simm.s32 @p2 $0x1  }
0x17: {  	s4 =	simm.s32 $0x1BF5;
	[smem:$0x3FBC] =	sst s0  }
0x18: {  	s0 =	sld [smem:$0x3F9F];
	_ =	swait.ge [sflag:s4], $0x0  }
0x19: {  	s7 =	sld [smem:$0x3FA0]  }
0x1a: {  	s8 =	sadd.s32 $0xFFFFE003, lr  }
0x1b: {  	s9 =	sadd.s32 $0xFFFFFEF7, lr;
	s5 =	simm.s32 $0xFFFFFFFF;
	p2 =	slt.u32 s8, $0xFFFFF086  }
0x1c: {  	p1 =	slt.u32 s9, $0xF7A;
	s5 =	simm.s32 @!p2 $0x0  }
0x1d: {  	s5 =	simm.s32 @p1 $0x1;
	p0 =	seq.s32 s7, s2  }
0x1e: {  	s7 =	smul.u32 @!p0 $0xF7A, s2;
	p2 =	seq.s32 @!p0 s5, $0x0  }
0x1f: {  	s9 =	smul.u32 $0xF7A, s1;
	s8 =	simm.s32 @!p0 $0x1BF5;
	p2 =	por !p2, p0  }
0x20: {  	[sflag:s8] =	ssyncset.s32 @!p0 $0xFFFFF086;
	s6 =	sadd.s32 @!p0 s3, s7;
	s7 =	simm.s32 @!p0 $0x108  }
0x21: {  	s3 =	sadd.s32 s3, s9;
	s6 =	sadd.s32 @!p0 $0x88, s6;
	s7 =	simm.s32 @p2 $0x1082  }
0x22: {  	[simem:s7], [sflag:s8] =	dma.local @!p0 [hbm:s6], $0xF7A  }
0x23: {  	s9 =	sor.u32 $0xD0000000, s2;
	s6 =	simm.s32 $0x108;
	_ =	swait.ge @!p0 [sflag:s8], $0x0  }
0x24: {  	s3 =	sadd.s32 $0x88, s3;
	s6 =	simm.s32 @!p1 $0x1082;
	[sflag:s4] =	ssyncset.s32 $0xFFFFF086  }
0x25: {  	[simem:s6], [sflag:s4] =	dma.local [hbm:s3], $0xF7A  }
0x26: {  	[smem:$0x3FA0] =	sst s1;
	(tag) =	ssettag s2;
	_ =	strace s9  }
0x27: {  	s1 =	sld [smem:$0x3FB0]  }
0x28: {  	s2 =	sld [smem:$0x3FB1]  }
0x29: {  	s4 =	sld [smem:$0x3FB3]  }
0x2a: {  	p0 =	seq.s32 s5, $0x0;
	s5 =	sld [smem:$0x3FB4]  }
0x2b: {  	s6 =	sld [smem:$0x3FB5]  }
0x2c: {  	s7 =	sld [smem:$0x3FB6]  }
0x2d: {  	s3 =	simm.s32 $0x108;
	s8 =	sld [smem:$0x3FB7]  }
0x2e: {  	s3 =	simm.s32 @!p0 $0x1082;
	s9 =	sld [smem:$0x3FB8]  }
0x2f: {  	lr =	sadd.s32 s0, s3;
	s0 =	sld [smem:$0x3FAF]  }
0x30: {  	s3 =	sld [smem:$0x3FB2]  }
0x31: {  	[smem:$0x3FBB] =	sst s10  }
0x32: {  	s10 =	sld [smem:$0x3FB9];
	_ =	sdelay $0x3  }
0x33: {  	p0 =	seq.s32 s10, $0x1;
	s10 =	sld [smem:$0x3FBB];
	_ =	sdelay $0x3  }
0x34: {  	[smem:$0x3FBB] =	sst s10  }
0x35: {  	s10 =	sld [smem:$0x3FBA];
	_ =	sdelay $0x3  }
0x36: {  	p1 =	seq.s32 s10, $0x1;
	s10 =	sld [smem:$0x3FBB];
	_ =	sdelay $0x3  }
0x37: {  	[smem:$0x3FBB] =	sst s10  }
0x38: {  	s10 =	sld [smem:$0x3FBC]  }
0x39: {  	_ = 	snop;
	(pc) =	sbr.ind lr, $3  }
0x3a: {  	_ = 	snop  }
0x3b: {  	_ = 	snop  }
0x3c: {  	p2 =	seq.s32 s10, $0x1;
	s10 =	sld [smem:$0x3FBB]  }
0x3d: {  	_ =	shalt  }
0x3e: {  	_ =	shalt  }
0x3f: {  	_ =	shalt  }
0x40: {  	_ =	shalt  }
0x41: {  	_ =	shalt  }
0x42: {  	_ =	shalt  }
0x43: {  	_ =	shalt  }
0x44: {  	_ =	shalt  }
0x45: {  	_ =	shalt  }
0x46: {  	_ =	shalt  }
0x47: {  	_ =	shalt  }
0x48: {  	_ =	shalt  }
0x49: {  	_ =	shalt  }
0x4a: {  	_ =	shalt  }
0x4b: {  	_ =	shalt  }
0x4c: {  	_ =	shalt  }
0x4d: {  	_ =	shalt  }
0x4e: {  	_ =	shalt  }
0x4f: {  	_ =	shalt  }
0x50: {  	_ =	shalt  }
0x51: {  	_ =	shalt  }
0x52: {  	_ =	shalt  }
0x53: {  	_ =	shalt  }
0x54: {  	_ =	shalt  }
0x55: {  	_ =	shalt  }
0x56: {  	_ =	shalt  }
0x57: {  	_ =	shalt  }
0x58: {  	_ =	shalt  }
0x59: {  	_ =	shalt  }
0x5a: {  	_ =	shalt  }
0x5b: {  	_ =	shalt  }
0x5c: {  	_ =	shalt  }
0x5d: {  	_ =	shalt  }
0x5e: {  	_ =	shalt  }
0x5f: {  	_ =	shalt  }
0x60: {  	_ =	shalt  }
0x61: {  	_ =	shalt  }
0x62: {  	_ =	shalt  }
0x63: {  	_ =	shalt  }
0x64: {  	_ =	shalt  }
0x65: {  	_ =	shalt  }
0x66: {  	_ =	shalt  }
0x67: {  	_ =	shalt  }
0x68: {  	_ =	shalt  }
0x69: {  	_ =	shalt  }
0x6a: {  	_ =	shalt  }
0x6b: {  	_ =	shalt  }
0x6c: {  	_ =	shalt  }
0x6d: {  	_ =	shalt  }
0x6e: {  	_ =	shalt  }
0x6f: {  	_ =	shalt  }
0x70: {  	_ =	shalt  }
0x71: {  	_ =	shalt  }
0x72: {  	_ =	shalt  }
0x73: {  	_ =	shalt  }
0x74: {  	_ =	shalt  }
0x75: {  	_ =	shalt  }
0x76: {  	_ =	shalt  }
0x77: {  	_ =	shalt  }
0x78: {  	_ =	shalt  }
0x79: {  	_ =	shalt  }
0x7a: {  	_ =	shalt  }
0x7b: {  	_ =	shalt  }
0x7c: {  	_ =	shalt  }
0x7d: {  	_ =	shalt  }
0x7e: {  	_ =	shalt  }
0x7f: {  	_ =	shalt  }
0x80: {  	_ =	shalt  }
0x81: {  	_ =	shalt  }
0x82: {  	_ =	shalt  }
0x83: {  	_ =	shalt  }
0x84: {  	_ =	shalt  }
0x85: {  	_ =	shalt  }
0x86: {  	_ =	shalt  }
0x87: {  	_ =	shalt  }
.Lfunc_end0:
.L_simem_size_0:
called_computation_lowered:
.L_overlay_start_0:
0x88: {  	s2 =	sld [smem:$0x3FD9]  }
0x89: {  	s3 =	sld [smem:$0x3FFE];
	_ =	sdelay $0x1  }
0x8a: {  	s1 =	srdreg.scid  }
0x8b: {  	s0 =	sand.u32 $0x1, s1  }
0x8c: {  	s14 =	sshll.u32 s0, $0xA;
	s2 =	sadd.s32 s3, s2  }
0x8d: {  	s2 =	sadd.s32 s2, s14  }
0x8e: {  	[smem:$0x3FC7] =	sst s2  }
0x8f: {  	_ = 	snop  }
0x90: {  	s2 =	sld [smem:$0x3FD0];
	_ =	sdelay $0x2  }
0x91: {  	s15 =	simm.s32 $0xA;
	s4 =	simm.s32 $0x10  }
0x92: {  	[smem:s4], [sflag:s15] =	dma.local [hbm:s2], $0x1  }
0x93: {  	_ =	swait.eq [sflag:s15], $0x1  }
0x94: {  	[sflag:s15] =	ssyncset.done $0x0  }
0x95: {  	s16 =	sld [smem:$0x10];
	[sflag:s15] =	ssyncadd.s32 $0xFFFFFFFF  }
0x96: {  	s17 =	sld [smem:$0x11];
	(tm) =	ssettm $0x1  }
0x97: {  	s18 =	sld [smem:$0x3FFB];
	_ =	sdelay $0x3  }
0x98: {  	_ =	strace s18  }
0x99: {  	s4 =	sld [smem:$0x3FFC];
	_ =	sdelay $0x3  }
0x9a: {  	_ =	strace s4  }
0x9b: {  	s4 =	sld [smem:$0x3FFD];
	_ =	sdelay $0x3  }
0x9c: {  	_ =	strace s4  }
0x9d: {  	_ =	strace $0x8FFFFFFF  }
0x9e: {  	s19 =	sld [smem:$0x3FDB];
	_ =	sdelay $0x1  }
0x9f: {  	s5 =	simm.s32 $_scs_section_size  }
0xa0: {  	s6 =	simm.s32 $_size__tile_overlayer_lowered;
	s7 =	simm.s32 $_tile_overlayer_lowered  }
0xa1: {  	s22 =	simm.s32 $0x1BFF;
	s21 =	sshll.u32 s7, $0x1;
	s4 =	sadd.s32 s5, s19  }
0xa2: {  	s8 =	simm.s32 $0x0;
	s20 =	sshll.u32 s6, $0x1;
	s6 =	sadd.s32 s21, s4  }
0xa3: {  	[timem:s8], [sflag:s22] =	dma.local [hbm:s6], s20  }
0xa4: {  	_ =	swait.ge [sflag:s22], s20  }
0xa5: {  	s5 =	ssub.s32 $0x0, s20;
	[sflag:s22] =	ssyncset.done $0x0  }
0xa6: {  	[sflag:s22] =	ssyncadd.s32 s5;
	_ =	sdelay $0x1  }
0xa7: {  	s23 =	simm.s32 $0x1B8B  }
0xa8: {  	_ =	swait.ge [sflag:s23], $0x1  }
0xa9: {  	[sflag:s23] =	ssyncset.done $0x0  }
0xaa: {  	s25 =	simm.s32 $0x1B8E;
	s24 =	sld [smem:$0x3FFE];
	[sflag:s23] =	ssyncadd.s32 $0xFFFFFFFF  }
0xab: {  	s26 =	simm.s32 $execute0_lowered;
	[smem:$0x3FD2] =	sst s25  }
0xac: {  	s6 =	sshll.u32 s26, $0x1;
	_ =	strace $0x80000046;
	[dreg:$0x1] =	wrdreg $0xFFFFFFFF  }
0xad: {  	s28 =	simm.s32 $_size_execute0_lowered;
	s4 =	sadd.s32 s4, s6;
	[dreg:$0x0] =	wrdreg $0x0  }
0xae: {  	s6 =	sshll.u32 s28, $0x1;
	[dreg:$0x2] =	wrdreg s4  }
0xaf: {  	[dreg:$0x3] =	wrdreg s6  }
0xb0: {  	[dreg:$0x4] =	wrdreg $0xC0  }
0xb1: {  	_ =	task [dreg:s8], $0x5FFFF  }
0xb2: {  	[dreg:$0x1] =	wrdreg $0xFFFFFFFF  }
0xb3: {  	[dreg:$0x0] =	wrdreg $0x60  }
0xb4: {  	[dreg:$0x2] =	wrdreg s24  }
0xb5: {  	[dreg:$0x3] =	wrdreg s17  }
0xb6: {  	[dreg:$0x4] =	wrdreg s16  }
0xb7: {  	[dreg:$0x5] =	wrdreg $0x9  }
0xb8: {  	_ =	task.clear_ibuf [dreg:s8], $0x6FFFF;
	_ =	strace $0x90000046  }
0xb9: {  	s29 =	simm.s32 $0x9;
	_ =	strace $0x80000048  }
0xba: {  	_ =	swait.ge [sflag:s29], $0x1  }
0xbb: {  	[sflag:s29] =	ssyncadd.s32 $0xFFFFFFFF  }
0xbc: {  	_ =	strace $0x90000048  }
0xbd: {  	_ =	sfence  }
0xbe: {  	s30 =	sld [smem:$0x0];
	_ =	sdelay $0x2  }
0xbf: {  	s31 =	sshll.u32 s1, $0xD;
	s1 =	sshrl.u32 s1, $0x2  }
0xc0: {  	s3 =	sand.u32 $0x4000, s31;
	s1 =	sadd.s32 s1, s30  }
0xc1: {  	s0 =	sor.u32 s3, s0;
	s1 =	sshll.u32 s1, $0x11  }
0xc2: {  	s0 =	sor.u32 s1, s0  }
0xc3: {  	s0 =	sadd.s32 $0x8F2B, s0  }
0xc4: {  	[sflag:s0] =	ssyncadd.remote.s32 $0x1  }
0xc5: {  	_ =	sfence.sel $0xFFFF  }
0xc6: {  	[dreg:$0x0] =	wrdreg $0xFFFFFFFF;
	(pc) =	sbr.abs _section_cstart, $3  }
0xc7: {  	[dreg:$0x1] =	wrdreg $0xFFFFFFFF  }
0xc8: {  	_ =	task.clear_ibuf [dreg:s8], $0x2FFFF;
	_ =	strace $0x9FFFFFFF  }
0xc9: {  	(tm) =	ssettm $0x7FFFFFFF  }
tec
execute0_lowered:
.L_overlay_start_1:
0x0: {  	(tag) =	ssettag $0x1  }
0x1: {  	s0 =	srdreg.scid  }
0x2: {  	s12 =	sand.u32 $0x1, s0;
	s0 =	stileid.u32  }
0x3: {  	s4 =	sshll.u32 s0, $0x1;
	s5 =	ssub.s32 $0x0, s12  }
0x4: {  	p0 =	sne.s32 s4, s5  }
.Ltmp0:
0x5: {  	_ = 	snop;
	(pc) =	sbr.rel @p0 .LBB2_4-.Ltmp0, $4  }
0x6: {  	s8 =	rddreg [dreg:$0x0]  }
0x7: {  	s2 =	rddreg [dreg:$0x1]  }
0x8: {  	s3 =	rddreg [dreg:$0x2]  }
0x9: {  	s1 =	rddreg [dreg:$0x3];
	_ =	strace $0x80000047  }
0xa: {  	s5 =	simm.s32 $0x0;
	s4 =	simm.s32 $0x2  }
0xb: {  	[tilespmem:s5], [sflag:$0x2] =	stream.linear.gather [hbm4b:s2+s5], $0x80, $0x38;
	[tilespmem:$0x200] =	vst v63  }
0xc: {  	_ =	swait.ge [sflag:s4], $0x80  }
0xd: {  	[sflag:s4] =	ssyncset.done $0x0  }
0xe: {  	s6 =	sadd.s32 $0x4400, s8;
	s7 =	simm.s32 $0x80;
	[sflag:s4] =	ssyncadd.s32 $0xFFFFFF80  }
0xf: {  	[tilespmem:s7], [sflag:$0x2] =	stream.linear.gather [hbm4b:s6+s5], $0x80, $0x38;
	[tilespmem:$0x200] =	vst v63  }
0x10: {  	_ =	swait.ge [sflag:s4], $0x80  }
0x11: {  	s8 =	sadd.s32 $0x400, s8;
	s9 =	simm.s32 $0x30;
	[sflag:s4] =	ssyncset.done $0x0  }
0x12: {  	s10 =	simm.s32 $0x100;
	s11 =	simm.s32 $0x1;
	[sflag:s4] =	ssyncadd.s32 $0xFFFFFF80  }
0x13: {  	[tilespmem:s10], [sflag:$0x1] =	stream.indirect.gather [hbm4b:s8+s9], $0x1, s5, s9, $0xb8;
	[tilespmem:$0x200] =	vst v63  }
0x14: {  	_ =	swait.ge [sflag:s11], $0x30  }
0x15: {  	[sflag:s11] =	ssyncset.done $0x0  }
0x16: {  	[sflag:s11] =	ssyncadd.s32 $0xFFFFFFD0  }
0x17: {  	v0 =	vld [tilespmem:$0xA0]  }
0x18: {  	v1 =	vld [tilespmem:$0x120]  }
0x19: {  	v2 =	vld [tilespmem:$0x90]  }
0x1a: {  	v3 =	vld [tilespmem:$0x100]  }
0x1b: {  	v4 =	vld [tilespmem:$0x110]  }
0x1c: {  	v5 =	vld [tilespmem:$0x80];
	_ =	sdelay $0x2  }
0x1d: {  	v6 =	vimm.s32 $0x76543210  }
0x1e: {  	v7 =	vimm.s32 $0xFEDCBA98;
	v6 =	vunpack.c.l.s4.s8 v6;
	v0 =	vsub.f32 v0, v1  }
0x1f: {  	v7 =	vunpack.c.l.s4.s8 v7;
	v1 =	vsub.f32 v2, v4;
	v2 =	vsub.f32 v5, v3  }
0x20: {  	vm0 =	vmmov $0xff;
	v8 =	vimm.s32 $0x3210FEDC;
	v3 =	vunpack.c.0.s8.s32 v6  }
0x21: {  	v4 =	vunpack.c.0.s8.s32 v7;
	v1 =	vand.u32 $0x7FFFFFFF, v1;
	v2 =	vand.u32 $0x7FFFFFFF, v2  }
0x22: {  	v0 =	vand.u32 $0x7FFFFFFF, v0;
	v6 =	vmul.f32 $5.000000000e-01, v1;
	v7 =	vmul.f32 $5.000000000e-01, v2  }
0x23: {  	v5 =	vmul.f32 $5.000000000e-01, v0;
	v9 =	vadd.f32 $-5.000000000e-01, v2;
	v10 =	vadd.f32 $-5.000000000e-01, v1  }
0x24: {  	vm1 =	vle.f32 v2, $1.000000000e+00;
	v6 =	vmul.f32 v6, v1;
	v7 =	vmul.f32 v7, v2  }
0x25: {  	vm2 =	vle.f32 v1, $1.000000000e+00;
	v5 =	vmul.f32 v5, v0;
	v2 =	vadd.f32 $-5.000000000e-01, v0  }
0x26: {  	v1 =	vsel vm2, v6, v10;
	vm2 =	vle.f32 v0, $1.000000000e+00;
	v0 =	vsel vm1, v7, v9  }
0x27: {  	v4 =	vand.u32 $0xF, v4;
	v2 =	vsel vm2, v5, v2;
	v1 =	vadd.f32 v1, v0  }
0x28: {  	v6 =	vimm.s32 $0xBA987654;
	v5 =	vunpack.c.l.s4.s8 v8;
	v2 =	vnsel vm0, $0x0, v2  }
0x29: {  	v6 =	vunpack.c.l.s4.s8 v6;
	v0 =	vcombine.low v4, v3;
	v2 =	vadd.f32 v2, v1  }
0x2a: {  	v4 =	vimm.s32 $0x10FEDCBA;
	v1 =	vunpack.c.0.s8.s32 v5  }
0x2b: {  	v3 =	vunpack.c.0.s8.s32 v6;
	v5 =	vimm.s32 $0x98765432;
	v6 =	vperm.xlane v2, v0  }
0x2c: {  	v4 =	vunpack.c.l.s4.s8 v4;
	v5 =	vunpack.c.l.s4.s8 v5  }
0x2d: {  	v1 =	vcombine.low v3, v1;
	v3 =	vadd.f32 v2, v6  }
0x2e: {  	v2 =	vunpack.c.0.s8.s32 v4;
	v4 =	vunpack.c.0.s8.s32 v5  }
0x2f: {  	v5 =	vperm.xlane v3, v1  }
0x30: {  	v6 =	vimm.s32 $0x87654321;
	v2 =	vcombine.low v4, v2;
	v4 =	vimm.s32 $0xFEDCBA9  }
0x31: {  	v6 =	vunpack.c.l.s4.s8 v6;
	v4 =	vunpack.c.l.s4.s8 v4;
	v5 =	vadd.f32 v3, v5  }
0x32: {  	s12 =	ssub.s32 $0x2, s12  }
0x33: {  	s13 =	sshrl.u32 s12, $0x1;
	v3 =	vunpack.c.0.s8.s32 v4;
	v4 =	vunpack.c.0.s8.s32 v6;
	v6 =	vperm.xlane v5, v2  }
0x34: {  	s12 =	ssub.s32 s12, s13  }
0x35: {  	s13 =	smax.u32 s12, $0x1;
	v3 =	vcombine.low v4, v3;
	v4 =	vadd.f32 v5, v6  }
0x36: {  	p0 =	sne.s32 s13, $0x1  }
.Ltmp1:
0x37: {  	v5 =	vperm.xlane v4, v3;
	(pc) =	sbr.rel @!p0 .LBB2_3-.Ltmp1, $3  }
0x38: {  	_ = 	snop  }
0x39: {  	v4 =	vadd.f32 v4, v5;
	_ =	sdelay $0x1  }
0x3a: {  	s12 =	simm.s32 $0x180;
	s13 =	sadd.s32 $0xFFFFFFFF, s13;
	v4 =	vmul.f32 $1.250000000e-01, v4  }
.LBB2_2:
0x3b: {  	p0 =	sne.s32 s13, $0x1;
	s13 =	sadd.s32 $0xFFFFFFFF, s13  }
0x3c: {  	[tilespmem:$0x180] =	vst v4  }
0x3d: {  	[hbm4b:s3+s5] =	stream.linear.scatter [tilespmem:s12], [sflag:$0x2], $0x80, $0x38;
	[tilespmem:$0x200] =	vst v63  }
0x3e: {  	_ =	swait.ge [sflag:s4], $0x80  }
0x3f: {  	[sflag:s4] =	ssyncset.done $0x0  }
0x40: {  	[sflag:s4] =	ssyncadd.s32 $0xFFFFFF80  }
0x41: {  	[tilespmem:s5], [sflag:$0x2] =	stream.linear.gather [hbm4b:s2+s5], $0x80, $0x38;
	[tilespmem:$0x200] =	vst v63  }
0x42: {  	_ =	swait.ge [sflag:s4], $0x80  }
0x43: {  	[sflag:s4] =	ssyncset.done $0x0  }
0x44: {  	[sflag:s4] =	ssyncadd.s32 $0xFFFFFF80  }
0x45: {  	[tilespmem:s7], [sflag:$0x2] =	stream.linear.gather [hbm4b:s6+s5], $0x80, $0x38;
	[tilespmem:$0x200] =	vst v63  }
0x46: {  	_ =	swait.ge [sflag:s4], $0x80  }
0x47: {  	[sflag:s4] =	ssyncset.done $0x0  }
0x48: {  	[sflag:s4] =	ssyncadd.s32 $0xFFFFFF80  }
0x49: {  	[tilespmem:s10], [sflag:$0x1] =	stream.indirect.gather [hbm4b:s8+s9], $0x1, s5, s9, $0xb8;
	[tilespmem:$0x200] =	vst v63  }
0x4a: {  	_ =	swait.ge [sflag:s11], $0x30  }
0x4b: {  	[sflag:s11] =	ssyncset.done $0x0  }
0x4c: {  	[sflag:s11] =	ssyncadd.s32 $0xFFFFFFD0  }
0x4d: {  	v4 =	vld [tilespmem:$0xA0]  }
0x4e: {  	v5 =	vld [tilespmem:$0x120]  }
0x4f: {  	v6 =	vld [tilespmem:$0x90]  }
0x50: {  	v7 =	vld [tilespmem:$0x100]  }
0x51: {  	v8 =	vld [tilespmem:$0x110]  }
0x52: {  	v9 =	vld [tilespmem:$0x80]  }
0x53: {  	v4 =	vsub.f32 v4, v5;
	_ =	sdelay $0x1  }
0x54: {  	v4 =	vand.u32 $0x7FFFFFFF, v4  }
0x55: {  	v5 =	vsub.f32 v6, v8;
	v6 =	vmul.f32 $5.000000000e-01, v4  }
0x56: {  	v7 =	vsub.f32 v9, v7  }
0x57: {  	v8 =	vadd.f32 $-5.000000000e-01, v4;
	v5 =	vand.u32 $0x7FFFFFFF, v5;
	v6 =	vmul.f32 v6, v4  }
0x58: {  	vm1 =	vle.f32 v4, $1.000000000e+00;
	v7 =	vand.u32 $0x7FFFFFFF, v7;
	v9 =	vmul.f32 $5.000000000e-01, v5  }
0x59: {  	v4 =	vmul.f32 $5.000000000e-01, v7;
	v6 =	vsel vm1, v6, v8  }
0x5a: {  	v10 =	vadd.f32 $-5.000000000e-01, v5;
	v8 =	vadd.f32 $-5.000000000e-01, v7;
	v9 =	vmul.f32 v9, v5  }
0x5b: {  	vm2 =	vle.f32 v5, $1.000000000e+00;
	vm1 =	vle.f32 v7, $1.000000000e+00;
	v4 =	vmul.f32 v4, v7  }
0x5c: {  	v5 =	vsel vm2, v9, v10  }
0x5d: {  	v4 =	vsel vm1, v4, v8  }
0x5e: {  	v4 =	vadd.f32 v5, v4;
	v5 =	vnsel vm0, $0x0, v6;
	_ =	sdelay $0x1  }
0x5f: {  	v4 =	vadd.f32 v5, v4;
	_ =	sdelay $0x1  }
0x60: {  	v5 =	vperm.xlane v4, v0;
	_ =	sdelay $0x1  }
0x61: {  	v4 =	vadd.f32 v4, v5;
	_ =	sdelay $0x1  }
0x62: {  	v5 =	vperm.xlane v4, v1;
	_ =	sdelay $0x1  }
0x63: {  	v4 =	vadd.f32 v4, v5;
	_ =	sdelay $0x1  }
0x64: {  	v5 =	vperm.xlane v4, v2;
	_ =	sdelay $0x1  }
0x65: {  	v4 =	vadd.f32 v4, v5;
	_ =	sdelay $0x1  }
.Ltmp2:
0x66: {  	v5 =	vperm.xlane v4, v3;
	(pc) =	sbr.rel @p0 .LBB2_2-.Ltmp2, $3  }
0x67: {  	_ = 	snop  }
0x68: {  	v4 =	vadd.f32 v4, v5;
	_ =	sdelay $0x1  }
0x69: {  	v4 =	vmul.f32 $1.250000000e-01, v4  }
.LBB2_3:
0x6a: {  	_ = 	snop  }
0x6b: {  	[tilespmem:$0x180] =	vst v4  }
0x6c: {  	[hbm4b:s3+s5] =	stream.linear.scatter [tilespmem:s12], [sflag:$0x2], $0x80, $0x38;
	[tilespmem:$0x200] =	vst v63  }
0x6d: {  	_ =	swait.ge [sflag:s4], $0x80  }
0x6e: {  	[sflag:s4] =	ssyncset.done $0x0  }
0x6f: {  	[sflag:s4] =	ssyncadd.s32 $0xFFFFFF80  }
.LBB2_4:
0x70: {  	_ =	sfence.sel $0x180000  }
0x71: {  	[bflag:$0x0] =	sbarrier.arrive $0xFFFF  }
0x72: {  	p0 =	sne.s32 s0, $0x0;
	_ =	strace $0x90000047  }
0x73: {  	s0 =	sadd.s32 @!p0 $0x100000, s1;
	[bflag:$0x2] =	sbarrier.arrive $0xFFFF  }
0x74: {  	[sflag:s0] =	ssyncadd.tile.s32 @!p0 $0x1;
	_ =	shalt  }
.Lfunc_end2:
_tile_overlayer_lowered:
.L_overlay_start_2:
0x75: {  	(tag) =	ssettag $0x2  }
0x76: {  	s0 =	rddreg [dreg:$0x0];
	s2 =	stileid.u32  }
0x77: {  	s1 =	rddreg [dreg:$0x1];
	p0 =	sne.s32 s2, $0x0  }
0x78: {  	s3 =	rddreg [dreg:$0x2];
	[bflag:$0x3] =	sbarrier.arrive $0xFFFF;
	s2 =	simm.s32 @!p0 $0x1C02  }
0x79: {  	[timem:s3], [sflag:s2] =	dma.local @!p0 [hbm:s0], s1  }
0x7a: {  	s0 =	simm.s32 @!p0 $0x2  }
0x7b: {  	_ =	swait.ge @!p0 [sflag:s0], s1  }
0x7c: {  	s1 =	ssub.s32 @!p0 $0x0, s1;
	[sflag:s0] =	ssyncset.done @!p0 $0x0  }
0x7d: {  	[sflag:s0] =	ssyncadd.s32 @!p0 s1  }
0x7e: {  	[bflag:$0x3] =	sbarrier.arrive $0xFFFF  }
0x7f: {  	_ =	shalt  }

</sc_bundles>
